<compile_context>
chip_gen: v7x
topology: tpu7x:2x2x1
jax: 0.10.2.dev20260603
libtpu: 0.0.44.dev20260713+nightly
codegen_flags: <defaults>
</compile_context>

<pallas_src>
import jax
import jax.numpy as jnp
from jax import lax
from jax.experimental import pallas as pl
from jax.experimental.pallas import tpu as pltpu
from jax.experimental.pallas import tpu_sc as plsc

N_TOKENS = 8192
NUM_CLASSES = 1024
EMBED_DIM = 128

T_TC = 4096
T_SC = N_TOKENS - T_TC

NC = 2
NS = 16
NW = NC * NS
TOK_PER_W = T_SC // NW
CHUNK = 128
CHUNKS_PER_W = TOK_PER_W // CHUNK
ROWS_PER_S = NUM_CLASSES // NS

A_BLK = 2048
A_STEPS = T_TC // A_BLK
B_BLK = 2048
B_STEPS = N_TOKENS // B_BLK

_PREC = jax.lax.Precision.DEFAULT


def _sc_segsum_kernel(x_hbm, y_hbm, zero_hbm, part_hbm,
                      x_v, idx_v, ones_v, acc_sum, acc_cnt,
                      sem_x, sem_y):
    c = lax.axis_index("c")
    s = lax.axis_index("s")
    wid = s * NC + c

    cp_x = pltpu.async_copy(x_hbm.at[pl.ds(T_TC + wid * TOK_PER_W, TOK_PER_W)],
                            x_v, sem_x)
    cp_y = pltpu.async_copy(y_hbm.at[pl.ds(wid * CHUNKS_PER_W, CHUNKS_PER_W)],
                            idx_v, sem_y)

    def _fill_ones(r, carry):
        for k in range(CHUNK // 16):
            ones_v[r, pl.ds(k * 16, 16)] = jnp.ones((16,), jnp.float32)
        return carry
    lax.fori_loop(0, CHUNK, _fill_ones, 0)

    pltpu.sync_copy(zero_hbm, acc_sum.at[pl.ds(s * ROWS_PER_S, ROWS_PER_S)])
    pltpu.sync_copy(zero_hbm, acc_cnt.at[pl.ds(s * ROWS_PER_S, ROWS_PER_S)])

    cp_x.wait()
    cp_y.wait()
    plsc.subcore_barrier()

    for j in range(CHUNKS_PER_W):
        pltpu.sync_copy(x_v.at[pl.ds(j * CHUNK, CHUNK)],
                        acc_sum.at[idx_v.at[j]], add=True)
        pltpu.sync_copy(ones_v, acc_cnt.at[idx_v.at[j]], add=True)
    plsc.subcore_barrier()

    pltpu.sync_copy(acc_sum.at[pl.ds(s * ROWS_PER_S, ROWS_PER_S)],
                    part_hbm.at[c, pl.ds(s * ROWS_PER_S, ROWS_PER_S)])
    pltpu.sync_copy(acc_cnt.at[pl.ds(s * ROWS_PER_S, ROWS_PER_S)],
                    part_hbm.at[c, pl.ds(NUM_CLASSES + s * ROWS_PER_S,
                                         ROWS_PER_S)])


def _sc_segsum(x, y_sc):
    y2 = y_sc.reshape(NW * CHUNKS_PER_W, CHUNK)
    zero = jnp.zeros((ROWS_PER_S, EMBED_DIM), jnp.float32)
    mesh = plsc.VectorSubcoreMesh(core_axis_name="c", subcore_axis_name="s")
    fn = pl.kernel(
        _sc_segsum_kernel,
        out_type=jax.ShapeDtypeStruct((NC, 2 * NUM_CLASSES, EMBED_DIM),
                                      jnp.float32),
        mesh=mesh,
        scratch_types=[
            pltpu.VMEM((TOK_PER_W, EMBED_DIM), jnp.float32),
            pltpu.VMEM((CHUNKS_PER_W, CHUNK), jnp.int32),
            pltpu.VMEM((CHUNK, EMBED_DIM), jnp.float32),
            pltpu.VMEM_SHARED((NUM_CLASSES, EMBED_DIM), jnp.float32),
            pltpu.VMEM_SHARED((NUM_CLASSES, EMBED_DIM), jnp.float32),
            pltpu.SemaphoreType.DMA,
            pltpu.SemaphoreType.DMA,
        ],
    )
    return fn(x, y2, zero)


def _acc_kernel(x_ref, y_ref, sums_out, cnt_out, sums_ref, cnt_ref):
    i = pl.program_id(0)

    @pl.when(i == 0)
    def _init():
        sums_ref[...] = jnp.zeros_like(sums_ref)
        cnt_ref[...] = jnp.zeros_like(cnt_ref)

    y_blk = y_ref[...]
    cls = jax.lax.broadcasted_iota(jnp.int32, (A_BLK, NUM_CLASSES), 1)
    oh = (y_blk == cls).astype(jnp.float32)
    sums_ref[...] += jax.lax.dot_general(
        oh, x_ref[...], (((0,), (0,)), ((), ())),
        precision=_PREC, preferred_element_type=jnp.float32)
    cnt_ref[...] += jax.lax.dot_general(
        oh, jnp.ones((A_BLK, 8), jnp.float32), (((0,), (0,)), ((), ())),
        precision=_PREC, preferred_element_type=jnp.float32)

    @pl.when(i == A_STEPS - 1)
    def _emit():
        sums_out[...] = sums_ref[...]
        cnt_out[...] = cnt_ref[...]


def _tc_accum(x, y_tc):
    y2 = y_tc.reshape(T_TC, 1)
    return pl.pallas_call(
        _acc_kernel,
        grid=(A_STEPS,),
        in_specs=[
            pl.BlockSpec((A_BLK, EMBED_DIM), lambda i: (i, 0)),
            pl.BlockSpec((A_BLK, 1), lambda i: (i, 0)),
        ],
        out_specs=[
            pl.BlockSpec((NUM_CLASSES, EMBED_DIM), lambda i: (0, 0)),
            pl.BlockSpec((NUM_CLASSES, 8), lambda i: (0, 0)),
        ],
        out_shape=[
            jax.ShapeDtypeStruct((NUM_CLASSES, EMBED_DIM), jnp.float32),
            jax.ShapeDtypeStruct((NUM_CLASSES, 8), jnp.float32),
        ],
        scratch_shapes=[
            pltpu.VMEM((NUM_CLASSES, EMBED_DIM), jnp.float32),
            pltpu.VMEM((NUM_CLASSES, 8), jnp.float32),
        ],
    )(x[:T_TC], y2)


def _dist_kernel(part_ref, tsum_ref, tcnt_ref, p_ref, c_ref, x_ref, o_ref,
                 u2_ref, usq_ref):
    i = pl.program_id(0)

    @pl.when(i == 0)
    def _update():
        sums = (part_ref[0, :NUM_CLASSES] + part_ref[1, :NUM_CLASSES]
                + tsum_ref[...])
        cnt = (part_ref[0, NUM_CLASSES:, 0:1] + part_ref[1, NUM_CLASSES:, 0:1]
               + tcnt_ref[:, 0:1])
        new = sums / jnp.maximum(cnt, 1.0)
        c = c_ref[...]
        u = jnp.where(cnt > 0.0, (c * p_ref[...] + new) / (c + 1.0),
                      p_ref[...])
        u2_ref[...] = u + u
        usq_ref[...] = jax.lax.dot_general(
            jnp.ones((1, EMBED_DIM), jnp.float32), u * u,
            (((1,), (1,)), ((), ())),
            precision=_PREC, preferred_element_type=jnp.float32)

    x = x_ref[...]
    d2 = jax.lax.dot_general(x, u2_ref[...], (((1,), (1,)), ((), ())),
                             precision=_PREC,
                             preferred_element_type=jnp.float32)
    xsq = jax.lax.dot_general(x * x, jnp.ones((1, EMBED_DIM), jnp.float32),
                              (((1,), (1,)), ((), ())),
                              precision=_PREC,
                              preferred_element_type=jnp.float32)
    o_ref[...] = jnp.minimum(d2 - xsq - usq_ref[...], 0.0)


def kernel(x, y_true, prototypes, counter):
    c2 = counter.reshape(NUM_CLASSES, 1)
    part = _sc_segsum(x, y_true[T_TC:])
    tsum, tcnt = _tc_accum(x, y_true[:T_TC])

    out = pl.pallas_call(
        _dist_kernel,
        grid=(B_STEPS,),
        in_specs=[
            pl.BlockSpec((NC, 2 * NUM_CLASSES, EMBED_DIM),
                         lambda i: (0, 0, 0)),
            pl.BlockSpec((NUM_CLASSES, EMBED_DIM), lambda i: (0, 0)),
            pl.BlockSpec((NUM_CLASSES, 8), lambda i: (0, 0)),
            pl.BlockSpec((NUM_CLASSES, EMBED_DIM), lambda i: (0, 0)),
            pl.BlockSpec((NUM_CLASSES, 1), lambda i: (0, 0)),
            pl.BlockSpec((B_BLK, EMBED_DIM), lambda i: (i, 0)),
        ],
        out_specs=pl.BlockSpec((B_BLK, NUM_CLASSES), lambda i: (i, 0)),
        out_shape=jax.ShapeDtypeStruct((N_TOKENS, NUM_CLASSES), jnp.float32),
        scratch_shapes=[
            pltpu.VMEM((NUM_CLASSES, EMBED_DIM), jnp.float32),
            pltpu.VMEM((1, NUM_CLASSES), jnp.float32),
        ],
    )(part, tsum, tcnt, prototypes, c2, x)
    return out

# --- scband reference (transcript-rebuilt; emitter-appended) ---
"""Pipeline reference for scband-deep-ncm-15015205667289 (READ-ONLY COPY).

The authoritative reference and input builder live on the scoring server;
editing this copy changes nothing except your own understanding.
"""

import jax, jax.numpy as jnp
import numpy as np

NUM_CLASSES = 1024
EMBED_DIM = 128
N_TOKENS = 8192


def setup_inputs(seed: int = 0) -> dict:
    key = jax.random.key(seed)
    k1, k2, k3 = jax.random.split(key, 3)
    x = jax.random.normal(k1, (N_TOKENS, EMBED_DIM), dtype=jnp.float32)
    y_true = jax.random.randint(k2, (N_TOKENS,), 0, NUM_CLASSES, dtype=jnp.int32)
    # learned/stateful params of DeepNCM (model = identity backbone)
    prototypes = jax.random.uniform(k3, (NUM_CLASSES, EMBED_DIM), dtype=jnp.float32)
    counter = jnp.zeros((NUM_CLASSES,), dtype=jnp.float32)
    return {"x": x, "y_true": y_true, "prototypes": prototypes, "counter": counter}


def reference(x, y_true, prototypes, counter):
    # backbone is identity -> embeddings = x (2D data path, no 4D reshape)
    embeddings = x
    num_classes = prototypes.shape[0]

    # --- training-mode prototype update (scatter_mean + running mean) ---
    counts = jnp.bincount(y_true, length=num_classes).astype(embeddings.dtype)
    sums = jax.ops.segment_sum(embeddings, y_true, num_segments=num_classes)
    new_prototypes = sums / jnp.maximum(counts, 1.0)[:, None]  # scatter_mean, 0 for empty classes
    represented = counts > 0  # mask over represented classes
    c = counter[:, None]
    updated_protos = jnp.where(
        represented[:, None],
        (c * prototypes + new_prototypes) / (c + 1.0),
        prototypes,
    )

    # --- distance computation: torch.norm(embeddings[:,None,:] - protos[None,:,:], dim=-1) ---
    # computed via the algebraically identical expansion to avoid materializing [N,K,D]
    x_sq = jnp.sum(embeddings * embeddings, axis=1)[:, None]
    p_sq = jnp.sum(updated_protos * updated_protos, axis=1)[None, :]
    sq_dists = x_sq + p_sq - 2.0 * (embeddings @ updated_protos.T)
    dists = jnp.sqrt(jnp.maximum(sq_dists, 0.0))
    return -(dists ** 2)

if __name__ == "__main__":
    import jax
    _d = setup_inputs()
    print(jax.jit(kernel)(*tuple(_d.values())))

</pallas_src>

<mosaic_0001>
#map = affine_map<(d0, d1) -> (0, 0)>
#map1 = affine_map<(d0, d1) -> (0, 0, 0)>
module attributes {stable_mosaic.version = 14 : i64} {
  func.func @_sc_segsum_kernel(%arg0: i32, %arg1: i32, %arg2: memref<8192x128xf32, #tpu.memory_space<hbm>>, %arg3: memref<32x128xi32, #tpu.memory_space<hbm>>, %arg4: memref<64x128xf32, #tpu.memory_space<hbm>>, %arg5: memref<2x2048x128xf32, #tpu.memory_space<hbm>>, %arg6: memref<128x128xf32, #tpu.memory_space<vmem>>, %arg7: memref<1x128xi32, #tpu.memory_space<vmem>>, %arg8: memref<128x128xf32, #tpu.memory_space<vmem>>, %arg9: memref<1024x128xf32, #tpu.memory_space<vmem_shared>>, %arg10: memref<1024x128xf32, #tpu.memory_space<vmem_shared>>, %arg11: memref<!tpu.dma_semaphore, #tpu.memory_space<semaphore_mem>>, %arg12: memref<!tpu.dma_semaphore, #tpu.memory_space<semaphore_mem>>) attributes {dimension_semantics = [#tpu.dimension_semantics<core_parallel>, #tpu.dimension_semantics<subcore_parallel>], iteration_bounds = array<i64: 2, 16>, scalar_prefetch = 0 : i64, scratch_operands = 7 : i64, tpu.core_type = #tpu.core_type<sc_vector_subcore>, window_params = [{transform_indices = #map}, {transform_indices = #map}, {transform_indices = #map}, {transform_indices = #map1}]} {
    %mul3A = arith.constant 2 : i32
    %mul3A_0 = arith.muli %arg1, %mul3A : i32
    %add3A = arith.addi %mul3A_0, %arg0 : i32
    %mul3A_1 = arith.constant 128 : i32
    %mul3A_2 = arith.muli %add3A, %mul3A_1 : i32
    %add3A_3 = arith.constant 4096 : i32
    %add3A_4 = arith.addi %add3A_3, %mul3A_2 : i32
    %dma_start3A = arith.constant 0 : i32
    %dma_start3A_5 = tpu.memref_slice %arg2[%add3A_4, %dma_start3A] : memref<8192x128xf32, #tpu.memory_space<hbm>> -> memref<128x128xf32, #tpu.memory_space<hbm>>
    %dma_start3A_6 = arith.constant 0 : i32
    %dma_start3A_7 = tpu.memref_slice %arg2[%add3A_4, %dma_start3A_6] : memref<8192x128xf32, #tpu.memory_space<hbm>> -> memref<128x128xf32, #tpu.memory_space<hbm>>
    tpu.enqueue_dma source(%dma_start3A_7 : memref<128x128xf32, #tpu.memory_space<hbm>>) target(%arg6 : memref<128x128xf32, #tpu.memory_space<vmem>>) target_semaphore(%arg11 : memref<!tpu.dma_semaphore, #tpu.memory_space<semaphore_mem>>)
    %mul3A_8 = arith.constant 1 : i32
    %mul3A_9 = arith.muli %add3A, %mul3A_8 : i32
    %dma_start3A_10 = arith.constant 0 : i32
    %dma_start3A_11 = tpu.memref_slice %arg3[%mul3A_9, %dma_start3A_10] : memref<32x128xi32, #tpu.memory_space<hbm>> -> memref<1x128xi32, #tpu.memory_space<hbm>>
    %dma_start3A_12 = arith.constant 0 : i32
    %dma_start3A_13 = tpu.memref_slice %arg3[%mul3A_9, %dma_start3A_12] : memref<32x128xi32, #tpu.memory_space<hbm>> -> memref<1x128xi32, #tpu.memory_space<hbm>>
    tpu.enqueue_dma source(%dma_start3A_13 : memref<1x128xi32, #tpu.memory_space<hbm>>) target(%arg7 : memref<1x128xi32, #tpu.memory_space<vmem>>) target_semaphore(%arg12 : memref<!tpu.dma_semaphore, #tpu.memory_space<semaphore_mem>>)
    %scan3A = arith.constant 0 : i32
    %scan3A_14 = arith.constant 0 : i32
    %scan3A_15 = arith.constant 128 : i32
    %scan3A_16 = arith.addi %scan3A_14, %scan3A_15 : i32
    %scan3A_17 = arith.constant 1 : i32
    scf.for %scan3A_42 = %scan3A_14 to %scan3A_16 step %scan3A_17  : i32 {
      %broadcast_in_dim3A = arith.constant 1.000000e+00 : f32
      %broadcast_in_dim3A_43 = vector.broadcast %broadcast_in_dim3A : f32 to vector<16xf32>
      %swap3A = arith.index_cast %scan3A_42 : i32 to index
      %swap3A_44 = arith.constant 0 : index
      %swap3A_45 = tpu.vector_load %arg8[%swap3A, %swap3A_44] {strides = array<i32>} : memref<128x128xf32, #tpu.memory_space<vmem>>, vector<1x16xf32>,
      %swap3A_46 = vector.shape_cast %swap3A_45 : vector<1x16xf32> to vector<16xf32>
      %swap3A_47 = vector.shape_cast %broadcast_in_dim3A_43 : vector<16xf32> to vector<1x16xf32>
      tpu.vector_store %arg8[%swap3A, %swap3A_44], %swap3A_47 {strides = array<i32>} : memref<128x128xf32, #tpu.memory_space<vmem>>, vector<1x16xf32>,
      %broadcast_in_dim3A_48 = arith.constant 1.000000e+00 : f32
      %broadcast_in_dim3A_49 = vector.broadcast %broadcast_in_dim3A_48 : f32 to vector<16xf32>
      %swap3A_50 = arith.index_cast %scan3A_42 : i32 to index
      %swap3A_51 = arith.constant 16 : index
      %swap3A_52 = tpu.vector_load %arg8[%swap3A_50, %swap3A_51] {strides = array<i32>} : memref<128x128xf32, #tpu.memory_space<vmem>>, vector<1x16xf32>,
      %swap3A_53 = vector.shape_cast %swap3A_52 : vector<1x16xf32> to vector<16xf32>
      %swap3A_54 = vector.shape_cast %broadcast_in_dim3A_49 : vector<16xf32> to vector<1x16xf32>
      tpu.vector_store %arg8[%swap3A_50, %swap3A_51], %swap3A_54 {strides = array<i32>} : memref<128x128xf32, #tpu.memory_space<vmem>>, vector<1x16xf32>,
      %broadcast_in_dim3A_55 = arith.constant 1.000000e+00 : f32
      %broadcast_in_dim3A_56 = vector.broadcast %broadcast_in_dim3A_55 : f32 to vector<16xf32>
      %swap3A_57 = arith.index_cast %scan3A_42 : i32 to index
      %swap3A_58 = arith.constant 32 : index
      %swap3A_59 = tpu.vector_load %arg8[%swap3A_57, %swap3A_58] {strides = array<i32>} : memref<128x128xf32, #tpu.memory_space<vmem>>, vector<1x16xf32>,
      %swap3A_60 = vector.shape_cast %swap3A_59 : vector<1x16xf32> to vector<16xf32>
      %swap3A_61 = vector.shape_cast %broadcast_in_dim3A_56 : vector<16xf32> to vector<1x16xf32>
      tpu.vector_store %arg8[%swap3A_57, %swap3A_58], %swap3A_61 {strides = array<i32>} : memref<128x128xf32, #tpu.memory_space<vmem>>, vector<1x16xf32>,
      %broadcast_in_dim3A_62 = arith.constant 1.000000e+00 : f32
      %broadcast_in_dim3A_63 = vector.broadcast %broadcast_in_dim3A_62 : f32 to vector<16xf32>
      %swap3A_64 = arith.index_cast %scan3A_42 : i32 to index
      %swap3A_65 = arith.constant 48 : index
      %swap3A_66 = tpu.vector_load %arg8[%swap3A_64, %swap3A_65] {strides = array<i32>} : memref<128x128xf32, #tpu.memory_space<vmem>>, vector<1x16xf32>,
      %swap3A_67 = vector.shape_cast %swap3A_66 : vector<1x16xf32> to vector<16xf32>
      %swap3A_68 = vector.shape_cast %broadcast_in_dim3A_63 : vector<16xf32> to vector<1x16xf32>
      tpu.vector_store %arg8[%swap3A_64, %swap3A_65], %swap3A_68 {strides = array<i32>} : memref<128x128xf32, #tpu.memory_space<vmem>>, vector<1x16xf32>,
      %broadcast_in_dim3A_69 = arith.constant 1.000000e+00 : f32
      %broadcast_in_dim3A_70 = vector.broadcast %broadcast_in_dim3A_69 : f32 to vector<16xf32>
      %swap3A_71 = arith.index_cast %scan3A_42 : i32 to index
      %swap3A_72 = arith.constant 64 : index
      %swap3A_73 = tpu.vector_load %arg8[%swap3A_71, %swap3A_72] {strides = array<i32>} : memref<128x128xf32, #tpu.memory_space<vmem>>, vector<1x16xf32>,
      %swap3A_74 = vector.shape_cast %swap3A_73 : vector<1x16xf32> to vector<16xf32>
      %swap3A_75 = vector.shape_cast %broadcast_in_dim3A_70 : vector<16xf32> to vector<1x16xf32>
      tpu.vector_store %arg8[%swap3A_71, %swap3A_72], %swap3A_75 {strides = array<i32>} : memref<128x128xf32, #tpu.memory_space<vmem>>, vector<1x16xf32>,
      %broadcast_in_dim3A_76 = arith.constant 1.000000e+00 : f32
      %broadcast_in_dim3A_77 = vector.broadcast %broadcast_in_dim3A_76 : f32 to vector<16xf32>
      %swap3A_78 = arith.index_cast %scan3A_42 : i32 to index
      %swap3A_79 = arith.constant 80 : index
      %swap3A_80 = tpu.vector_load %arg8[%swap3A_78, %swap3A_79] {strides = array<i32>} : memref<128x128xf32, #tpu.memory_space<vmem>>, vector<1x16xf32>,
      %swap3A_81 = vector.shape_cast %swap3A_80 : vector<1x16xf32> to vector<16xf32>
      %swap3A_82 = vector.shape_cast %broadcast_in_dim3A_77 : vector<16xf32> to vector<1x16xf32>
      tpu.vector_store %arg8[%swap3A_78, %swap3A_79], %swap3A_82 {strides = array<i32>} : memref<128x128xf32, #tpu.memory_space<vmem>>, vector<1x16xf32>,
      %broadcast_in_dim3A_83 = arith.constant 1.000000e+00 : f32
      %broadcast_in_dim3A_84 = vector.broadcast %broadcast_in_dim3A_83 : f32 to vector<16xf32>
      %swap3A_85 = arith.index_cast %scan3A_42 : i32 to index
      %swap3A_86 = arith.constant 96 : index
      %swap3A_87 = tpu.vector_load %arg8[%swap3A_85, %swap3A_86] {strides = array<i32>} : memref<128x128xf32, #tpu.memory_space<vmem>>, vector<1x16xf32>,
      %swap3A_88 = vector.shape_cast %swap3A_87 : vector<1x16xf32> to vector<16xf32>
      %swap3A_89 = vector.shape_cast %broadcast_in_dim3A_84 : vector<16xf32> to vector<1x16xf32>
      tpu.vector_store %arg8[%swap3A_85, %swap3A_86], %swap3A_89 {strides = array<i32>} : memref<128x128xf32, #tpu.memory_space<vmem>>, vector<1x16xf32>,
      %broadcast_in_dim3A_90 = arith.constant 1.000000e+00 : f32
      %broadcast_in_dim3A_91 = vector.broadcast %broadcast_in_dim3A_90 : f32 to vector<16xf32>
      %swap3A_92 = arith.index_cast %scan3A_42 : i32 to index
      %swap3A_93 = arith.constant 112 : index
      %swap3A_94 = tpu.vector_load %arg8[%swap3A_92, %swap3A_93] {strides = array<i32>} : memref<128x128xf32, #tpu.memory_space<vmem>>, vector<1x16xf32>,
      %swap3A_95 = vector.shape_cast %swap3A_94 : vector<1x16xf32> to vector<16xf32>
      %swap3A_96 = vector.shape_cast %broadcast_in_dim3A_91 : vector<16xf32> to vector<1x16xf32>
      tpu.vector_store %arg8[%swap3A_92, %swap3A_93], %swap3A_96 {strides = array<i32>} : memref<128x128xf32, #tpu.memory_space<vmem>>, vector<1x16xf32>,
    }
    %scan3A_18 = arith.constant 128 : i32
    %mul3A_19 = arith.constant 64 : i32
    %mul3A_20 = arith.muli %arg1, %mul3A_19 : i32
    "tpu.region"() ({
      %run_scoped3A_42 = tpu.sem_alloc : memref<!tpu.dma_semaphore, #tpu.memory_space<semaphore_mem>>
      %dma_start3A_43 = arith.constant 0 : i32
      %dma_start3A_44 = tpu.memref_slice %arg9[%mul3A_20, %dma_start3A_43] : memref<1024x128xf32, #tpu.memory_space<vmem_shared>> -> memref<64x128xf32, #tpu.memory_space<vmem_shared>>
      tpu.enqueue_dma source(%arg4 : memref<64x128xf32, #tpu.memory_space<hbm>>) target(%dma_start3A_44 : memref<64x128xf32, #tpu.memory_space<vmem_shared>>) target_semaphore(%run_scoped3A_42 : memref<!tpu.dma_semaphore, #tpu.memory_space<semaphore_mem>>)
      %dma_wait3A_45 = arith.constant 0 : i32
      %dma_wait3A_46 = tpu.memref_slice %arg9[%mul3A_20, %dma_wait3A_45] : memref<1024x128xf32, #tpu.memory_space<vmem_shared>> -> memref<64x128xf32, #tpu.memory_space<vmem_shared>>
      tpu.wait_dma2 semaphore(%run_scoped3A_42 : memref<!tpu.dma_semaphore, #tpu.memory_space<semaphore_mem>>) src(%arg4 : memref<64x128xf32, #tpu.memory_space<hbm>>) dst(%dma_wait3A_46 : memref<64x128xf32, #tpu.memory_space<vmem_shared>>)
      tpu.yield
    }) : () -> ()
    %mul3A_21 = arith.constant 64 : i32
    %mul3A_22 = arith.muli %arg1, %mul3A_21 : i32
    "tpu.region"() ({
      %run_scoped3A_42 = tpu.sem_alloc : memref<!tpu.dma_semaphore, #tpu.memory_space<semaphore_mem>>
      %dma_start3A_43 = arith.constant 0 : i32
      %dma_start3A_44 = tpu.memref_slice %arg10[%mul3A_22, %dma_start3A_43] : memref<1024x128xf32, #tpu.memory_space<vmem_shared>> -> memref<64x128xf32, #tpu.memory_space<vmem_shared>>
      tpu.enqueue_dma source(%arg4 : memref<64x128xf32, #tpu.memory_space<hbm>>) target(%dma_start3A_44 : memref<64x128xf32, #tpu.memory_space<vmem_shared>>) target_semaphore(%run_scoped3A_42 : memref<!tpu.dma_semaphore, #tpu.memory_space<semaphore_mem>>)
      %dma_wait3A_45 = arith.constant 0 : i32
      %dma_wait3A_46 = tpu.memref_slice %arg10[%mul3A_22, %dma_wait3A_45] : memref<1024x128xf32, #tpu.memory_space<vmem_shared>> -> memref<64x128xf32, #tpu.memory_space<vmem_shared>>
      tpu.wait_dma2 semaphore(%run_scoped3A_42 : memref<!tpu.dma_semaphore, #tpu.memory_space<semaphore_mem>>) src(%arg4 : memref<64x128xf32, #tpu.memory_space<hbm>>) dst(%dma_wait3A_46 : memref<64x128xf32, #tpu.memory_space<vmem_shared>>)
      tpu.yield
    }) : () -> ()
    %dma_wait3A = arith.constant 0 : i32
    %dma_wait3A_23 = tpu.memref_slice %arg2[%add3A_4, %dma_wait3A] : memref<8192x128xf32, #tpu.memory_space<hbm>> -> memref<128x128xf32, #tpu.memory_space<hbm>>
    %dma_wait3A_24 = arith.constant 0 : i32
    %dma_wait3A_25 = tpu.memref_slice %arg2[%add3A_4, %dma_wait3A_24] : memref<8192x128xf32, #tpu.memory_space<hbm>> -> memref<128x128xf32, #tpu.memory_space<hbm>>
    tpu.wait_dma2 semaphore(%arg11 : memref<!tpu.dma_semaphore, #tpu.memory_space<semaphore_mem>>) src(%dma_wait3A_25 : memref<128x128xf32, #tpu.memory_space<hbm>>) dst(%arg6 : memref<128x128xf32, #tpu.memory_space<vmem>>)
    %dma_wait3A_26 = arith.constant 0 : i32
    %dma_wait3A_27 = tpu.memref_slice %arg3[%mul3A_9, %dma_wait3A_26] : memref<32x128xi32, #tpu.memory_space<hbm>> -> memref<1x128xi32, #tpu.memory_space<hbm>>
    %dma_wait3A_28 = arith.constant 0 : i32
    %dma_wait3A_29 = tpu.memref_slice %arg3[%mul3A_9, %dma_wait3A_28] : memref<32x128xi32, #tpu.memory_space<hbm>> -> memref<1x128xi32, #tpu.memory_space<hbm>>
    tpu.wait_dma2 semaphore(%arg12 : memref<!tpu.dma_semaphore, #tpu.memory_space<semaphore_mem>>) src(%dma_wait3A_29 : memref<1x128xi32, #tpu.memory_space<hbm>>) dst(%arg7 : memref<1x128xi32, #tpu.memory_space<vmem>>)
    %barrier3A = arith.constant 0 : index
    tpu.barrier barrier_id(%barrier3A)
    %run_scoped3A = arith.constant 0 : i32
    "tpu.region"() ({
      %run_scoped3A_42 = tpu.sem_alloc : memref<!tpu.dma_semaphore, #tpu.memory_space<semaphore_mem>>
      %dma_start3A_43 = arith.constant 0 : i32
      %dma_start3A_44 = arith.constant 0 : i32
      %dma_start3A_45 = tpu.memref_slice %arg6[%dma_start3A_43, %dma_start3A_44] : memref<128x128xf32, #tpu.memory_space<vmem>> -> memref<128x128xf32, #tpu.memory_space<vmem>>
      %dma_start3A_46 = arith.constant 0 : i32
      %dma_start3A_47 = tpu.memref_slice %arg7[%run_scoped3A, %dma_start3A_46] : memref<1x128xi32, #tpu.memory_space<vmem>> -> memref<1x128xi32, #tpu.memory_space<vmem>>
      %dma_start3A_48 = tpu.memref_squeeze %dma_start3A_47 : memref<1x128xi32, #tpu.memory_space<vmem>> -> memref<128xi32, #tpu.memory_space<vmem>>
      %dma_start3A_49 = arith.constant 0 : i32
      %dma_start3A_50 = arith.constant 0 : i32
      %dma_start3A_51 = tpu.memref_slice %arg9[%dma_start3A_49, %dma_start3A_50] : memref<1024x128xf32, #tpu.memory_space<vmem_shared>> -> memref<1024x128xf32, #tpu.memory_space<vmem_shared>>
      tpu.enqueue_indirect_dma source(%dma_start3A_45 : memref<128x128xf32, #tpu.memory_space<vmem>>) target(%dma_start3A_51 : memref<1024x128xf32, #tpu.memory_space<vmem_shared>>) offsets(%dma_start3A_48 : memref<128xi32, #tpu.memory_space<vmem>>) semaphore(%run_scoped3A_42 : memref<!tpu.dma_semaphore, #tpu.memory_space<semaphore_mem>>) {add = true}
      %dma_wait3A_52 = arith.constant 0 : i32
      %dma_wait3A_53 = arith.constant 0 : i32
      %dma_wait3A_54 = tpu.memref_slice %arg6[%dma_wait3A_52, %dma_wait3A_53] : memref<128x128xf32, #tpu.memory_space<vmem>> -> memref<128x128xf32, #tpu.memory_space<vmem>>
      %dma_wait3A_55 = arith.constant 0 : i32
      %dma_wait3A_56 = tpu.memref_slice %arg7[%run_scoped3A, %dma_wait3A_55] : memref<1x128xi32, #tpu.memory_space<vmem>> -> memref<1x128xi32, #tpu.memory_space<vmem>>
      %dma_wait3A_57 = tpu.memref_squeeze %dma_wait3A_56 : memref<1x128xi32, #tpu.memory_space<vmem>> -> memref<128xi32, #tpu.memory_space<vmem>>
      %dma_wait3A_58 = arith.constant 0 : i32
      %dma_wait3A_59 = arith.constant 0 : i32
      %dma_wait3A_60 = tpu.memref_slice %arg9[%dma_wait3A_58, %dma_wait3A_59] : memref<1024x128xf32, #tpu.memory_space<vmem_shared>> -> memref<1024x128xf32, #tpu.memory_space<vmem_shared>>
      tpu.wait_indirect_dma semaphore(%run_scoped3A_42 : memref<!tpu.dma_semaphore, #tpu.memory_space<semaphore_mem>>) src(%dma_wait3A_54 : memref<128x128xf32, #tpu.memory_space<vmem>>) dst(%dma_wait3A_60 : memref<1024x128xf32, #tpu.memory_space<vmem_shared>>)
      tpu.yield
    }) : () -> ()
    %run_scoped3A_30 = arith.constant 0 : i32
    "tpu.region"() ({
      %run_scoped3A_42 = tpu.sem_alloc : memref<!tpu.dma_semaphore, #tpu.memory_space<semaphore_mem>>
      %dma_start3A_43 = arith.constant 0 : i32
      %dma_start3A_44 = tpu.memref_slice %arg7[%run_scoped3A_30, %dma_start3A_43] : memref<1x128xi32, #tpu.memory_space<vmem>> -> memref<1x128xi32, #tpu.memory_space<vmem>>
      %dma_start3A_45 = tpu.memref_squeeze %dma_start3A_44 : memref<1x128xi32, #tpu.memory_space<vmem>> -> memref<128xi32, #tpu.memory_space<vmem>>
      %dma_start3A_46 = arith.constant 0 : i32
      %dma_start3A_47 = arith.constant 0 : i32
      %dma_start3A_48 = tpu.memref_slice %arg10[%dma_start3A_46, %dma_start3A_47] : memref<1024x128xf32, #tpu.memory_space<vmem_shared>> -> memref<1024x128xf32, #tpu.memory_space<vmem_shared>>
      tpu.enqueue_indirect_dma source(%arg8 : memref<128x128xf32, #tpu.memory_space<vmem>>) target(%dma_start3A_48 : memref<1024x128xf32, #tpu.memory_space<vmem_shared>>) offsets(%dma_start3A_45 : memref<128xi32, #tpu.memory_space<vmem>>) semaphore(%run_scoped3A_42 : memref<!tpu.dma_semaphore, #tpu.memory_space<semaphore_mem>>) {add = true}
      %dma_wait3A_49 = arith.constant 0 : i32
      %dma_wait3A_50 = tpu.memref_slice %arg7[%run_scoped3A_30, %dma_wait3A_49] : memref<1x128xi32, #tpu.memory_space<vmem>> -> memref<1x128xi32, #tpu.memory_space<vmem>>
      %dma_wait3A_51 = tpu.memref_squeeze %dma_wait3A_50 : memref<1x128xi32, #tpu.memory_space<vmem>> -> memref<128xi32, #tpu.memory_space<vmem>>
      %dma_wait3A_52 = arith.constant 0 : i32
      %dma_wait3A_53 = arith.constant 0 : i32
      %dma_wait3A_54 = tpu.memref_slice %arg10[%dma_wait3A_52, %dma_wait3A_53] : memref<1024x128xf32, #tpu.memory_space<vmem_shared>> -> memref<1024x128xf32, #tpu.memory_space<vmem_shared>>
      tpu.wait_indirect_dma semaphore(%run_scoped3A_42 : memref<!tpu.dma_semaphore, #tpu.memory_space<semaphore_mem>>) src(%arg8 : memref<128x128xf32, #tpu.memory_space<vmem>>) dst(%dma_wait3A_54 : memref<1024x128xf32, #tpu.memory_space<vmem_shared>>)
      tpu.yield
    }) : () -> ()
    %barrier3A_31 = arith.constant 0 : index
    tpu.barrier barrier_id(%barrier3A_31)
    %mul3A_32 = arith.constant 64 : i32
    %mul3A_33 = arith.muli %arg1, %mul3A_32 : i32
    %mul3A_34 = arith.constant 64 : i32
    %mul3A_35 = arith.muli %arg1, %mul3A_34 : i32
    "tpu.region"() ({
      %run_scoped3A_42 = tpu.sem_alloc : memref<!tpu.dma_semaphore, #tpu.memory_space<semaphore_mem>>
      %dma_start3A_43 = arith.constant 0 : i32
      %dma_start3A_44 = tpu.memref_slice %arg5[%arg0, %mul3A_35, %dma_start3A_43] : memref<2x2048x128xf32, #tpu.memory_space<hbm>> -> memref<1x64x128xf32, #tpu.memory_space<hbm>>
      %dma_start3A_45 = tpu.memref_squeeze %dma_start3A_44 : memref<1x64x128xf32, #tpu.memory_space<hbm>> -> memref<64x128xf32, #tpu.memory_space<hbm>>
      %dma_start3A_46 = arith.constant 0 : i32
      %dma_start3A_47 = tpu.memref_slice %arg9[%mul3A_33, %dma_start3A_46] : memref<1024x128xf32, #tpu.memory_space<vmem_shared>> -> memref<64x128xf32, #tpu.memory_space<vmem_shared>>
      tpu.enqueue_dma source(%dma_start3A_47 : memref<64x128xf32, #tpu.memory_space<vmem_shared>>) target(%dma_start3A_45 : memref<64x128xf32, #tpu.memory_space<hbm>>) target_semaphore(%run_scoped3A_42 : memref<!tpu.dma_semaphore, #tpu.memory_space<semaphore_mem>>)
      %dma_wait3A_48 = arith.constant 0 : i32
      %dma_wait3A_49 = tpu.memref_slice %arg5[%arg0, %mul3A_35, %dma_wait3A_48] : memref<2x2048x128xf32, #tpu.memory_space<hbm>> -> memref<1x64x128xf32, #tpu.memory_space<hbm>>
      %dma_wait3A_50 = tpu.memref_squeeze %dma_wait3A_49 : memref<1x64x128xf32, #tpu.memory_space<hbm>> -> memref<64x128xf32, #tpu.memory_space<hbm>>
      %dma_wait3A_51 = arith.constant 0 : i32
      %dma_wait3A_52 = tpu.memref_slice %arg9[%mul3A_33, %dma_wait3A_51] : memref<1024x128xf32, #tpu.memory_space<vmem_shared>> -> memref<64x128xf32, #tpu.memory_space<vmem_shared>>
      tpu.wait_dma2 semaphore(%run_scoped3A_42 : memref<!tpu.dma_semaphore, #tpu.memory_space<semaphore_mem>>) src(%dma_wait3A_52 : memref<64x128xf32, #tpu.memory_space<vmem_shared>>) dst(%dma_wait3A_50 : memref<64x128xf32, #tpu.memory_space<hbm>>)
      tpu.yield
    }) : () -> ()
    %mul3A_36 = arith.constant 64 : i32
    %mul3A_37 = arith.muli %arg1, %mul3A_36 : i32
    %mul3A_38 = arith.constant 64 : i32
    %mul3A_39 = arith.muli %arg1, %mul3A_38 : i32
    %add3A_40 = arith.constant 1024 : i32
    %add3A_41 = arith.addi %add3A_40, %mul3A_39 : i32
    "tpu.region"() ({
      %run_scoped3A_42 = tpu.sem_alloc : memref<!tpu.dma_semaphore, #tpu.memory_space<semaphore_mem>>
      %dma_start3A_43 = arith.constant 0 : i32
      %dma_start3A_44 = tpu.memref_slice %arg5[%arg0, %add3A_41, %dma_start3A_43] : memref<2x2048x128xf32, #tpu.memory_space<hbm>> -> memref<1x64x128xf32, #tpu.memory_space<hbm>>
      %dma_start3A_45 = tpu.memref_squeeze %dma_start3A_44 : memref<1x64x128xf32, #tpu.memory_space<hbm>> -> memref<64x128xf32, #tpu.memory_space<hbm>>
      %dma_start3A_46 = arith.constant 0 : i32
      %dma_start3A_47 = tpu.memref_slice %arg10[%mul3A_37, %dma_start3A_46] : memref<1024x128xf32, #tpu.memory_space<vmem_shared>> -> memref<64x128xf32, #tpu.memory_space<vmem_shared>>
      tpu.enqueue_dma source(%dma_start3A_47 : memref<64x128xf32, #tpu.memory_space<vmem_shared>>) target(%dma_start3A_45 : memref<64x128xf32, #tpu.memory_space<hbm>>) target_semaphore(%run_scoped3A_42 : memref<!tpu.dma_semaphore, #tpu.memory_space<semaphore_mem>>)
      %dma_wait3A_48 = arith.constant 0 : i32
      %dma_wait3A_49 = tpu.memref_slice %arg5[%arg0, %add3A_41, %dma_wait3A_48] : memref<2x2048x128xf32, #tpu.memory_space<hbm>> -> memref<1x64x128xf32, #tpu.memory_space<hbm>>
      %dma_wait3A_50 = tpu.memref_squeeze %dma_wait3A_49 : memref<1x64x128xf32, #tpu.memory_space<hbm>> -> memref<64x128xf32, #tpu.memory_space<hbm>>
      %dma_wait3A_51 = arith.constant 0 : i32
      %dma_wait3A_52 = tpu.memref_slice %arg10[%mul3A_37, %dma_wait3A_51] : memref<1024x128xf32, #tpu.memory_space<vmem_shared>> -> memref<64x128xf32, #tpu.memory_space<vmem_shared>>
      tpu.wait_dma2 semaphore(%run_scoped3A_42 : memref<!tpu.dma_semaphore, #tpu.memory_space<semaphore_mem>>) src(%dma_wait3A_52 : memref<64x128xf32, #tpu.memory_space<vmem_shared>>) dst(%dma_wait3A_50 : memref<64x128xf32, #tpu.memory_space<hbm>>)
      tpu.yield
    }) : () -> ()
    return
  }
}

module attributes {stable_mosaic.version = 14 : i64} {
  func.func @_dist_kernel(%arg0: i32, %arg1: memref<2x2048x128xf32, #tpu.memory_space<vmem>>, %arg2: memref<1024x128xf32, #tpu.memory_space<vmem>>, %arg3: memref<1024x8xf32, #tpu.memory_space<vmem>>, %arg4: memref<1024x128xf32, #tpu.memory_space<vmem>>, %arg5: memref<1024x1xf32, #tpu.memory_space<vmem>>, %arg6: memref<2048x128xf32, #tpu.memory_space<vmem>>, %arg7: memref<2048x1024xf32, #tpu.memory_space<vmem>>, %arg8: memref<1024x128xf32, #tpu.memory_space<vmem>>, %arg9: memref<1x1024xf32, #tpu.memory_space<vmem>>) attributes {dimension_semantics = [#tpu.dimension_semantics<arbitrary>], iteration_bounds = array<i64: 4>, scalar_prefetch = 0 : i64, scratch_operands = 2 : i64, tpu.core_type = #tpu.core_type<tc>, window_params = [{pipeline_mode = #tpu.pipeline_mode<synchronous>, transform_indices = @transform_0, window_bounds = array<i64: 2, 2048, 128>}, {pipeline_mode = #tpu.pipeline_mode<synchronous>, transform_indices = @transform_1, window_bounds = array<i64: 1024, 128>}, {pipeline_mode = #tpu.pipeline_mode<synchronous>, transform_indices = @transform_2, window_bounds = array<i64: 1024, 8>}, {pipeline_mode = #tpu.pipeline_mode<synchronous>, transform_indices = @transform_3, window_bounds = array<i64: 1024, 128>}, {pipeline_mode = #tpu.pipeline_mode<synchronous>, transform_indices = @transform_4, window_bounds = array<i64: 1024, 1>}, {transform_indices = @transform_5, window_bounds = array<i64: 2048, 128>}, {transform_indices = @transform_6, window_bounds = array<i64: 2048, 1024>}]} {
    %eq3A = arith.constant 0 : i32
    %eq3A_0 = arith.cmpi eq, %arg0, %eq3A : i32
    %convert_element_type3A = arith.extui %eq3A_0 : i1 to i32
    %cond3A = arith.constant 0 : i32
    %cond3A_1 = arith.cmpi ne, %convert_element_type3A, %cond3A : i32
    scf.if %cond3A_1 {
      %get3A_21 = arith.constant 0 : index
      %get3A_22 = arith.constant 0 : index
      %get3A_23 = arith.constant 0 : index
      %get3A_24 = vector.load %arg1[%get3A_21, %get3A_22, %get3A_23] : memref<2x2048x128xf32, #tpu.memory_space<vmem>>, vector<1x1024x128xf32>
      %get3A_25 = vector.shape_cast %get3A_24 : vector<1x1024x128xf32> to vector<1024x128xf32>
      %get3A_26 = arith.constant 1 : index
      %get3A_27 = arith.constant 0 : index
      %get3A_28 = arith.constant 0 : index
      %get3A_29 = vector.load %arg1[%get3A_26, %get3A_27, %get3A_28] : memref<2x2048x128xf32, #tpu.memory_space<vmem>>, vector<1x1024x128xf32>
      %get3A_30 = vector.shape_cast %get3A_29 : vector<1x1024x128xf32> to vector<1024x128xf32>
      %add3A = arith.addf %get3A_25, %get3A_30 : vector<1024x128xf32>
      %get3A_31 = arith.constant 0 : index
      %get3A_32 = arith.constant 0 : index
      %get3A_33 = vector.load %arg2[%get3A_31, %get3A_32] : memref<1024x128xf32, #tpu.memory_space<vmem>>, vector<1024x128xf32>
      %add3A_34 = arith.addf %add3A, %get3A_33 : vector<1024x128xf32>
      %get3A_35 = arith.constant 0 : index
      %get3A_36 = arith.constant 1024 : index
      %get3A_37 = arith.constant 0 : index
      %get3A_38 = vector.load %arg1[%get3A_35, %get3A_36, %get3A_37] : memref<2x2048x128xf32, #tpu.memory_space<vmem>>, vector<1x1024x1xf32>
      %get3A_39 = vector.shape_cast %get3A_38 : vector<1x1024x1xf32> to vector<1024x1xf32>
      %get3A_40 = arith.constant 1 : index
      %get3A_41 = arith.constant 1024 : index
      %get3A_42 = arith.constant 0 : index
      %get3A_43 = vector.load %arg1[%get3A_40, %get3A_41, %get3A_42] : memref<2x2048x128xf32, #tpu.memory_space<vmem>>, vector<1x1024x1xf32>
      %get3A_44 = vector.shape_cast %get3A_43 : vector<1x1024x1xf32> to vector<1024x1xf32>
      %add3A_45 = arith.addf %get3A_39, %get3A_44 : vector<1024x1xf32>
      %get3A_46 = arith.constant 0 : index
      %get3A_47 = arith.constant 0 : index
      %get3A_48 = vector.load %arg3[%get3A_46, %get3A_47] : memref<1024x8xf32, #tpu.memory_space<vmem>>, vector<1024x1xf32>
      %add3A_49 = arith.addf %add3A_45, %get3A_48 : vector<1024x1xf32>
      %max3A = arith.constant 1.000000e+00 : f32
      %max3A_50 = vector.broadcast %max3A : f32 to vector<1024x1xf32>
      %max3A_51 = arith.maximumf %add3A_49, %max3A_50 : vector<1024x1xf32>
      %div3A = vector.broadcast %max3A_51 : vector<1024x1xf32> to vector<1024x128xf32>
      %div3A_52 = arith.divf %add3A_34, %div3A : vector<1024x128xf32>
      %get3A_53 = arith.constant 0 : index
      %get3A_54 = arith.constant 0 : index
      %get3A_55 = vector.load %arg5[%get3A_53, %get3A_54] : memref<1024x1xf32, #tpu.memory_space<vmem>>, vector<1024x1xf32>
      %gt3A = arith.constant 0.000000e+00 : f32
      %gt3A_56 = vector.broadcast %gt3A : f32 to vector<1024x1xf32>
      %gt3A_57 = arith.cmpf ogt, %add3A_49, %gt3A_56 : vector<1024x1xf32>
      %get3A_58 = arith.constant 0 : index
      %get3A_59 = arith.constant 0 : index
      %get3A_60 = vector.load %arg4[%get3A_58, %get3A_59] : memref<1024x128xf32, #tpu.memory_space<vmem>>, vector<1024x128xf32>
      %mul3A_61 = vector.broadcast %get3A_55 : vector<1024x1xf32> to vector<1024x128xf32>
      %mul3A_62 = arith.mulf %mul3A_61, %get3A_60 : vector<1024x128xf32>
      %add3A_63 = arith.addf %mul3A_62, %div3A_52 : vector<1024x128xf32>
      %add3A_64 = arith.constant 1.000000e+00 : f32
      %add3A_65 = vector.broadcast %add3A_64 : f32 to vector<1024x1xf32>
      %add3A_66 = arith.addf %get3A_55, %add3A_65 : vector<1024x1xf32>
      %div3A_67 = vector.broadcast %add3A_66 : vector<1024x1xf32> to vector<1024x128xf32>
      %div3A_68 = arith.divf %add3A_63, %div3A_67 : vector<1024x128xf32>
      %get3A_69 = arith.constant 0 : index
      %get3A_70 = arith.constant 0 : index
      %get3A_71 = vector.load %arg4[%get3A_69, %get3A_70] : memref<1024x128xf32, #tpu.memory_space<vmem>>, vector<1024x128xf32>
      %broadcast_in_dim3A_72 = vector.shape_cast %gt3A_57 : vector<1024x1xi1> to vector<1024x1xi1>
      %broadcast_in_dim3A_73 = vector.broadcast %broadcast_in_dim3A_72 : vector<1024x1xi1> to vector<1024x128xi1>
      %select_n3A = arith.select %broadcast_in_dim3A_73, %div3A_68, %get3A_71 : vector<1024x128xi1>, vector<1024x128xf32>
      %add3A_74 = arith.addf %select_n3A, %select_n3A : vector<1024x128xf32>
      %swap3A_75 = arith.constant 0 : index
      %swap3A_76 = arith.constant 0 : index
      %swap3A_77 = vector.load %arg8[%swap3A_75, %swap3A_76] : memref<1024x128xf32, #tpu.memory_space<vmem>>, vector<1024x128xf32>
      tpu.vector_store %arg8[%swap3A_75, %swap3A_76], %add3A_74 {strides = array<i32>} : memref<1024x128xf32, #tpu.memory_space<vmem>>, vector<1024x128xf32>,
      %broadcast_in_dim3A_78 = arith.constant 1.000000e+00 : f32
      %broadcast_in_dim3A_79 = vector.broadcast %broadcast_in_dim3A_78 : f32 to vector<1x128xf32>
      %mul3A_80 = arith.mulf %select_n3A, %select_n3A : vector<1024x128xf32>
      %dot_general3A_81 = arith.constant dense<0.000000e+00> : vector<1x1024xf32>
      %dot_general3A_82 = tpu.matmul %broadcast_in_dim3A_79, %mul3A_80, %dot_general3A_81 {dimension_numbers = #tpu.dot_dimension_numbers<[1], [1], [0], [0], [0, 0, 1, 0], [], []>, transpose_lhs_hint = false} : vector<1x128xf32>, vector<1024x128xf32>, vector<1x1024xf32> -> vector<1x1024xf32>
      %swap3A_83 = arith.constant 0 : index
      %swap3A_84 = arith.constant 0 : index
      %swap3A_85 = vector.load %arg9[%swap3A_83, %swap3A_84] : memref<1x1024xf32, #tpu.memory_space<vmem>>, vector<1x1024xf32>
      tpu.vector_store %arg9[%swap3A_83, %swap3A_84], %dot_general3A_82 {strides = array<i32>} : memref<1x1024xf32, #tpu.memory_space<vmem>>, vector<1x1024xf32>,
    } else {
    }
    %get3A = arith.constant 0 : index
    %get3A_2 = arith.constant 0 : index
    %get3A_3 = vector.load %arg6[%get3A, %get3A_2] : memref<2048x128xf32, #tpu.memory_space<vmem>>, vector<2048x128xf32>
    %get3A_4 = arith.constant 0 : index
    %get3A_5 = arith.constant 0 : index
    %get3A_6 = vector.load %arg8[%get3A_4, %get3A_5] : memref<1024x128xf32, #tpu.memory_space<vmem>>, vector<1024x128xf32>
    %dot_general3A = arith.constant dense<0.000000e+00> : vector<2048x1024xf32>
    %dot_general3A_7 = tpu.matmul %get3A_3, %get3A_6, %dot_general3A {dimension_numbers = #tpu.dot_dimension_numbers<[1], [1], [0], [0], [0, 0, 1, 0], [], []>, transpose_lhs_hint = false} : vector<2048x128xf32>, vector<1024x128xf32>, vector<2048x1024xf32> -> vector<2048x1024xf32>
    %mul3A = arith.mulf %get3A_3, %get3A_3 : vector<2048x128xf32>
    %broadcast_in_dim3A = arith.constant 1.000000e+00 : f32
    %broadcast_in_dim3A_8 = vector.broadcast %broadcast_in_dim3A : f32 to vector<1x128xf32>
    %dot_general3A_9 = arith.constant dense<0.000000e+00> : vector<2048x1xf32>
    %dot_general3A_10 = tpu.matmul %mul3A, %broadcast_in_dim3A_8, %dot_general3A_9 {dimension_numbers = #tpu.dot_dimension_numbers<[1], [1], [0], [0], [0, 0, 1, 0], [], []>, transpose_lhs_hint = false} : vector<2048x128xf32>, vector<1x128xf32>, vector<2048x1xf32> -> vector<2048x1xf32>
    %sub3A = vector.broadcast %dot_general3A_10 : vector<2048x1xf32> to vector<2048x1024xf32>
    %sub3A_11 = arith.subf %dot_general3A_7, %sub3A : vector<2048x1024xf32>
    %get3A_12 = arith.constant 0 : index
    %get3A_13 = arith.constant 0 : index
    %get3A_14 = vector.load %arg9[%get3A_12, %get3A_13] : memref<1x1024xf32, #tpu.memory_space<vmem>>, vector<1x1024xf32>
    %sub3A_15 = vector.broadcast %get3A_14 : vector<1x1024xf32> to vector<2048x1024xf32>
    %sub3A_16 = arith.subf %sub3A_11, %sub3A_15 : vector<2048x1024xf32>
    %min3A = arith.constant 0.000000e+00 : f32
    %min3A_17 = vector.broadcast %min3A : f32 to vector<2048x1024xf32>
    %min3A_18 = arith.minimumf %sub3A_16, %min3A_17 : vector<2048x1024xf32>
    %swap3A = arith.constant 0 : index
    %swap3A_19 = arith.constant 0 : index
    %swap3A_20 = vector.load %arg7[%swap3A, %swap3A_19] : memref<2048x1024xf32, #tpu.memory_space<vmem>>, vector<2048x1024xf32>
    tpu.vector_store %arg7[%swap3A, %swap3A_19], %min3A_18 {strides = array<i32>} : memref<2048x1024xf32, #tpu.memory_space<vmem>>, vector<2048x1024xf32>,
    return
  }
  func.func @transform_0(%arg0: i32) -> (i32, i32, i32) {
    %c0_i32 = arith.constant 0 : i32
    %c0_i32_0 = arith.constant 0 : i32
    %c0_i32_1 = arith.constant 0 : i32
    %c0_i32_2 = arith.constant 0 : i32
    return %c0_i32, %c0_i32_0, %c0_i32_1 : i32, i32, i32
  }
  func.func @transform_1(%arg0: i32) -> (i32, i32) {
    %c0_i32 = arith.constant 0 : i32
    %c0_i32_0 = arith.constant 0 : i32
    %c0_i32_1 = arith.constant 0 : i32
    return %c0_i32, %c0_i32_0 : i32, i32
  }
  func.func @transform_2(%arg0: i32) -> (i32, i32) {
    %c0_i32 = arith.constant 0 : i32
    %c0_i32_0 = arith.constant 0 : i32
    %c0_i32_1 = arith.constant 0 : i32
    return %c0_i32, %c0_i32_0 : i32, i32
  }
  func.func @transform_3(%arg0: i32) -> (i32, i32) {
    %c0_i32 = arith.constant 0 : i32
    %c0_i32_0 = arith.constant 0 : i32
    %c0_i32_1 = arith.constant 0 : i32
    return %c0_i32, %c0_i32_0 : i32, i32
  }
  func.func @transform_4(%arg0: i32) -> (i32, i32) {
    %c0_i32 = arith.constant 0 : i32
    %c0_i32_0 = arith.constant 0 : i32
    %c0_i32_1 = arith.constant 0 : i32
    return %c0_i32, %c0_i32_0 : i32, i32
  }
  func.func @transform_5(%arg0: i32) -> (i32, i32) {
    %c0_i32 = arith.constant 0 : i32
    %c0_i32_0 = arith.constant 0 : i32
    return %arg0, %c0_i32 : i32, i32
  }
  func.func @transform_6(%arg0: i32) -> (i32, i32) {
    %c0_i32 = arith.constant 0 : i32
    %c0_i32_0 = arith.constant 0 : i32
    return %arg0, %c0_i32 : i32, i32
  }
}

module attributes {stable_mosaic.version = 14 : i64} {
  func.func @_acc_kernel(%arg0: i32, %arg1: memref<2048x128xf32, #tpu.memory_space<vmem>>, %arg2: memref<2048x1xi32, #tpu.memory_space<vmem>>, %arg3: memref<1024x128xf32, #tpu.memory_space<vmem>>, %arg4: memref<1024x8xf32, #tpu.memory_space<vmem>>, %arg5: memref<1024x128xf32, #tpu.memory_space<vmem>>, %arg6: memref<1024x8xf32, #tpu.memory_space<vmem>>) attributes {dimension_semantics = [#tpu.dimension_semantics<arbitrary>], iteration_bounds = array<i64: 2>, scalar_prefetch = 0 : i64, scratch_operands = 2 : i64, tpu.core_type = #tpu.core_type<tc>, window_params = [{transform_indices = @transform_0, window_bounds = array<i64: 2048, 128>}, {transform_indices = @transform_1, window_bounds = array<i64: 2048, 1>}, {pipeline_mode = #tpu.pipeline_mode<synchronous>, transform_indices = @transform_2, window_bounds = array<i64: 1024, 128>}, {pipeline_mode = #tpu.pipeline_mode<synchronous>, transform_indices = @transform_3, window_bounds = array<i64: 1024, 8>}]} {
    %eq3A = arith.constant 0 : i32
    %eq3A_0 = arith.cmpi eq, %arg0, %eq3A : i32
    %convert_element_type3A = arith.extui %eq3A_0 : i1 to i32
    %cond3A = arith.constant 0 : i32
    %cond3A_1 = arith.cmpi ne, %convert_element_type3A, %cond3A : i32
    scf.if %cond3A_1 {
      %broadcast_in_dim3A_32 = arith.constant 0.000000e+00 : f32
      %broadcast_in_dim3A_33 = vector.broadcast %broadcast_in_dim3A_32 : f32 to vector<1024x128xf32>
      %swap3A_34 = arith.constant 0 : index
      %swap3A_35 = arith.constant 0 : index
      %swap3A_36 = vector.load %arg5[%swap3A_34, %swap3A_35] : memref<1024x128xf32, #tpu.memory_space<vmem>>, vector<1024x128xf32>
      tpu.vector_store %arg5[%swap3A_34, %swap3A_35], %broadcast_in_dim3A_33 {strides = array<i32>} : memref<1024x128xf32, #tpu.memory_space<vmem>>, vector<1024x128xf32>,
      %broadcast_in_dim3A_37 = arith.constant 0.000000e+00 : f32
      %broadcast_in_dim3A_38 = vector.broadcast %broadcast_in_dim3A_37 : f32 to vector<1024x8xf32>
      %swap3A_39 = arith.constant 0 : index
      %swap3A_40 = arith.constant 0 : index
      %swap3A_41 = vector.load %arg6[%swap3A_39, %swap3A_40] : memref<1024x8xf32, #tpu.memory_space<vmem>>, vector<1024x8xf32>
      tpu.vector_store %arg6[%swap3A_39, %swap3A_40], %broadcast_in_dim3A_38 {strides = array<i32>} : memref<1024x8xf32, #tpu.memory_space<vmem>>, vector<1024x8xf32>,
    } else {
    }
    %get3A = arith.constant 0 : index
    %get3A_2 = arith.constant 0 : index
    %get3A_3 = vector.load %arg2[%get3A, %get3A_2] : memref<2048x1xi32, #tpu.memory_space<vmem>>, vector<2048x1xi32>
    %iota3A = tpu.iota {dimensions = array<i32: 1>} : vector<2048x1024xi32>
    %eq3A_4 = vector.broadcast %get3A_3 : vector<2048x1xi32> to vector<2048x1024xi32>
    %eq3A_5 = arith.cmpi eq, %eq3A_4, %iota3A : vector<2048x1024xi32>
    %convert_element_type3A_6 = arith.extui %eq3A_5 : vector<2048x1024xi1> to vector<2048x1024xi32>
    %convert_element_type3A_7 = arith.sitofp %convert_element_type3A_6 : vector<2048x1024xi32> to vector<2048x1024xf32>
    %get3A_8 = arith.constant 0 : index
    %get3A_9 = arith.constant 0 : index
    %get3A_10 = vector.load %arg5[%get3A_8, %get3A_9] : memref<1024x128xf32, #tpu.memory_space<vmem>>, vector<1024x128xf32>
    %get3A_11 = arith.constant 0 : index
    %get3A_12 = arith.constant 0 : index
    %get3A_13 = vector.load %arg1[%get3A_11, %get3A_12] : memref<2048x128xf32, #tpu.memory_space<vmem>>, vector<2048x128xf32>
    %dot_general3A = arith.constant dense<0.000000e+00> : vector<1024x128xf32>
    %dot_general3A_14 = tpu.matmul %convert_element_type3A_7, %get3A_13, %dot_general3A {dimension_numbers = #tpu.dot_dimension_numbers<[0], [0], [1], [1], [0, 1, 1, 1], [], []>, transpose_lhs_hint = false} : vector<2048x1024xf32>, vector<2048x128xf32>, vector<1024x128xf32> -> vector<1024x128xf32>
    %add3A = arith.addf %get3A_10, %dot_general3A_14 : vector<1024x128xf32>
    %swap3A = arith.constant 0 : index
    %swap3A_15 = arith.constant 0 : index
    %swap3A_16 = vector.load %arg5[%swap3A, %swap3A_15] : memref<1024x128xf32, #tpu.memory_space<vmem>>, vector<1024x128xf32>
    tpu.vector_store %arg5[%swap3A, %swap3A_15], %add3A {strides = array<i32>} : memref<1024x128xf32, #tpu.memory_space<vmem>>, vector<1024x128xf32>,
    %get3A_17 = arith.constant 0 : index
    %get3A_18 = arith.constant 0 : index
    %get3A_19 = vector.load %arg6[%get3A_17, %get3A_18] : memref<1024x8xf32, #tpu.memory_space<vmem>>, vector<1024x8xf32>
    %broadcast_in_dim3A = arith.constant 1.000000e+00 : f32
    %broadcast_in_dim3A_20 = vector.broadcast %broadcast_in_dim3A : f32 to vector<2048x8xf32>
    %dot_general3A_21 = arith.constant dense<0.000000e+00> : vector<1024x8xf32>
    %dot_general3A_22 = tpu.matmul %convert_element_type3A_7, %broadcast_in_dim3A_20, %dot_general3A_21 {dimension_numbers = #tpu.dot_dimension_numbers<[0], [0], [1], [1], [0, 1, 1, 1], [], []>, transpose_lhs_hint = false} : vector<2048x1024xf32>, vector<2048x8xf32>, vector<1024x8xf32> -> vector<1024x8xf32>
    %add3A_23 = arith.addf %get3A_19, %dot_general3A_22 : vector<1024x8xf32>
    %swap3A_24 = arith.constant 0 : index
    %swap3A_25 = arith.constant 0 : index
    %swap3A_26 = vector.load %arg6[%swap3A_24, %swap3A_25] : memref<1024x8xf32, #tpu.memory_space<vmem>>, vector<1024x8xf32>
    tpu.vector_store %arg6[%swap3A_24, %swap3A_25], %add3A_23 {strides = array<i32>} : memref<1024x8xf32, #tpu.memory_space<vmem>>, vector<1024x8xf32>,
    %eq3A_27 = arith.constant 1 : i32
    %eq3A_28 = arith.cmpi eq, %arg0, %eq3A_27 : i32
    %convert_element_type3A_29 = arith.extui %eq3A_28 : i1 to i32
    %cond3A_30 = arith.constant 0 : i32
    %cond3A_31 = arith.cmpi ne, %convert_element_type3A_29, %cond3A_30 : i32
    scf.if %cond3A_31 {
      %get3A_32 = arith.constant 0 : index
      %get3A_33 = arith.constant 0 : index
      %get3A_34 = vector.load %arg5[%get3A_32, %get3A_33] : memref<1024x128xf32, #tpu.memory_space<vmem>>, vector<1024x128xf32>
      %swap3A_35 = arith.constant 0 : index
      %swap3A_36 = arith.constant 0 : index
      %swap3A_37 = vector.load %arg3[%swap3A_35, %swap3A_36] : memref<1024x128xf32, #tpu.memory_space<vmem>>, vector<1024x128xf32>
      tpu.vector_store %arg3[%swap3A_35, %swap3A_36], %get3A_34 {strides = array<i32>} : memref<1024x128xf32, #tpu.memory_space<vmem>>, vector<1024x128xf32>,
      %get3A_38 = arith.constant 0 : index
      %get3A_39 = arith.constant 0 : index
      %get3A_40 = vector.load %arg6[%get3A_38, %get3A_39] : memref<1024x8xf32, #tpu.memory_space<vmem>>, vector<1024x8xf32>
      %swap3A_41 = arith.constant 0 : index
      %swap3A_42 = arith.constant 0 : index
      %swap3A_43 = vector.load %arg4[%swap3A_41, %swap3A_42] : memref<1024x8xf32, #tpu.memory_space<vmem>>, vector<1024x8xf32>
      tpu.vector_store %arg4[%swap3A_41, %swap3A_42], %get3A_40 {strides = array<i32>} : memref<1024x8xf32, #tpu.memory_space<vmem>>, vector<1024x8xf32>,
    } else {
    }
    return
  }
  func.func @transform_0(%arg0: i32) -> (i32, i32) {
    %c0_i32 = arith.constant 0 : i32
    %c0_i32_0 = arith.constant 0 : i32
    return %arg0, %c0_i32 : i32, i32
  }
  func.func @transform_1(%arg0: i32) -> (i32, i32) {
    %c0_i32 = arith.constant 0 : i32
    %c0_i32_0 = arith.constant 0 : i32
    return %arg0, %c0_i32 : i32, i32
  }
  func.func @transform_2(%arg0: i32) -> (i32, i32) {
    %c0_i32 = arith.constant 0 : i32
    %c0_i32_0 = arith.constant 0 : i32
    %c0_i32_1 = arith.constant 0 : i32
    return %c0_i32, %c0_i32_0 : i32, i32
  }
  func.func @transform_3(%arg0: i32) -> (i32, i32) {
    %c0_i32 = arith.constant 0 : i32
    %c0_i32_0 = arith.constant 0 : i32
    %c0_i32_1 = arith.constant 0 : i32
    return %c0_i32, %c0_i32_0 : i32, i32
  }
}

</mosaic_0001>

<sc_bundles>
// kernel: kernel.5.cloned.1.call-start
scs
__scs_entry_jumppad:
0x0: {  	(pc) =	sbr.rel $0x88, $3  }
0x1: {  	(tag) =	ssettag $0x0;
	lr =	simm.s32 $0x1  }
0x2: {  	[smem:$0x3F9D] =	sst lr;
	_ =	strace $0xD0000000  }
0x3: {  	_ = 	snop  }
0x4: {  	_ = 	snop  }
0x5: {  	_ = 	snop  }
0x6: {  	_ = 	snop  }
0x7: {  	_ = 	snop  }
__scs_overlays_trampoline_lowered:
0x8: {  	[smem:$0x3FAC] =	sst s0  }
0x9: {  	[smem:$0x3FAD] =	sst s1  }
0xa: {  	[smem:$0x3FAE] =	sst s2  }
0xb: {  	[smem:$0x3FAF] =	sst s3  }
0xc: {  	[smem:$0x3FB0] =	sst s4  }
0xd: {  	[smem:$0x3FB1] =	sst s5  }
0xe: {  	[smem:$0x3FB2] =	sst s6  }
0xf: {  	[smem:$0x3FB3] =	sst s7  }
0x10: {  	[smem:$0x3FB4] =	sst s8  }
0x11: {  	[smem:$0x3FB5] =	sst s9;
	s0 =	simm.s32 @!p0 $0x0  }
0x12: {  	s1 =	sld [smem:$0x3F9B];
	s0 =	simm.s32 @p0 $0x1  }
0x13: {  	[smem:$0x3FB6] =	sst s0;
	s0 =	simm.s32 @!p1 $0x0  }
0x14: {  	s2 =	sld [smem:$0x3F9A];
	s0 =	simm.s32 @p1 $0x1  }
0x15: {  	[smem:$0x3FB7] =	sst s0;
	s0 =	simm.s32 @!p2 $0x0  }
0x16: {  	s3 =	sld [smem:$0x3FDB];
	s0 =	simm.s32 @p2 $0x1  }
0x17: {  	s4 =	simm.s32 $0x1BF5;
	[smem:$0x3FB9] =	sst s0  }
0x18: {  	s0 =	sld [smem:$0x3F9C];
	_ =	swait.ge [sflag:s4], $0x0  }
0x19: {  	s7 =	sld [smem:$0x3F9D]  }
0x1a: {  	s8 =	sadd.s32 $0xFFFFE003, lr  }
0x1b: {  	s9 =	sadd.s32 $0xFFFFFEF7, lr;
	s5 =	simm.s32 $0xFFFFFFFF;
	p2 =	slt.u32 s8, $0xFFFFF086  }
0x1c: {  	p1 =	slt.u32 s9, $0xF7A;
	s5 =	simm.s32 @!p2 $0x0  }
0x1d: {  	s5 =	simm.s32 @p1 $0x1;
	p0 =	seq.s32 s7, s2  }
0x1e: {  	s7 =	smul.u32 @!p0 $0xF7A, s2;
	p2 =	seq.s32 @!p0 s5, $0x0  }
0x1f: {  	s9 =	smul.u32 $0xF7A, s1;
	s8 =	simm.s32 @!p0 $0x1BF5;
	p2 =	por !p2, p0  }
0x20: {  	[sflag:s8] =	ssyncset.s32 @!p0 $0xFFFFF086;
	s6 =	sadd.s32 @!p0 s3, s7;
	s7 =	simm.s32 @!p0 $0x108  }
0x21: {  	s3 =	sadd.s32 s3, s9;
	s6 =	sadd.s32 @!p0 $0x88, s6;
	s7 =	simm.s32 @p2 $0x1082  }
0x22: {  	[simem:s7], [sflag:s8] =	dma.local @!p0 [hbm:s6], $0xF7A  }
0x23: {  	s9 =	sor.u32 $0xD0000000, s2;
	s6 =	simm.s32 $0x108;
	_ =	swait.ge @!p0 [sflag:s8], $0x0  }
0x24: {  	s3 =	sadd.s32 $0x88, s3;
	s6 =	simm.s32 @!p1 $0x1082;
	[sflag:s4] =	ssyncset.s32 $0xFFFFF086  }
0x25: {  	[simem:s6], [sflag:s4] =	dma.local [hbm:s3], $0xF7A  }
0x26: {  	[smem:$0x3F9D] =	sst s1;
	(tag) =	ssettag s2;
	_ =	strace s9  }
0x27: {  	s1 =	sld [smem:$0x3FAD]  }
0x28: {  	s2 =	sld [smem:$0x3FAE]  }
0x29: {  	s4 =	sld [smem:$0x3FB0]  }
0x2a: {  	p0 =	seq.s32 s5, $0x0;
	s5 =	sld [smem:$0x3FB1]  }
0x2b: {  	s6 =	sld [smem:$0x3FB2]  }
0x2c: {  	s7 =	sld [smem:$0x3FB3]  }
0x2d: {  	s3 =	simm.s32 $0x108;
	s8 =	sld [smem:$0x3FB4]  }
0x2e: {  	s3 =	simm.s32 @!p0 $0x1082;
	s9 =	sld [smem:$0x3FB5]  }
0x2f: {  	lr =	sadd.s32 s0, s3;
	s0 =	sld [smem:$0x3FAC]  }
0x30: {  	s3 =	sld [smem:$0x3FAF]  }
0x31: {  	[smem:$0x3FB8] =	sst s10  }
0x32: {  	s10 =	sld [smem:$0x3FB6];
	_ =	sdelay $0x3  }
0x33: {  	p0 =	seq.s32 s10, $0x1;
	s10 =	sld [smem:$0x3FB8];
	_ =	sdelay $0x3  }
0x34: {  	[smem:$0x3FB8] =	sst s10  }
0x35: {  	s10 =	sld [smem:$0x3FB7];
	_ =	sdelay $0x3  }
0x36: {  	p1 =	seq.s32 s10, $0x1;
	s10 =	sld [smem:$0x3FB8];
	_ =	sdelay $0x3  }
0x37: {  	[smem:$0x3FB8] =	sst s10  }
0x38: {  	s10 =	sld [smem:$0x3FB9]  }
0x39: {  	_ = 	snop;
	(pc) =	sbr.ind lr, $3  }
0x3a: {  	_ = 	snop  }
0x3b: {  	_ = 	snop  }
0x3c: {  	p2 =	seq.s32 s10, $0x1;
	s10 =	sld [smem:$0x3FB8]  }
0x3d: {  	_ =	shalt  }
0x3e: {  	_ =	shalt  }
0x3f: {  	_ =	shalt  }
0x40: {  	_ =	shalt  }
0x41: {  	_ =	shalt  }
0x42: {  	_ =	shalt  }
0x43: {  	_ =	shalt  }
0x44: {  	_ =	shalt  }
0x45: {  	_ =	shalt  }
0x46: {  	_ =	shalt  }
0x47: {  	_ =	shalt  }
0x48: {  	_ =	shalt  }
0x49: {  	_ =	shalt  }
0x4a: {  	_ =	shalt  }
0x4b: {  	_ =	shalt  }
0x4c: {  	_ =	shalt  }
0x4d: {  	_ =	shalt  }
0x4e: {  	_ =	shalt  }
0x4f: {  	_ =	shalt  }
0x50: {  	_ =	shalt  }
0x51: {  	_ =	shalt  }
0x52: {  	_ =	shalt  }
0x53: {  	_ =	shalt  }
0x54: {  	_ =	shalt  }
0x55: {  	_ =	shalt  }
0x56: {  	_ =	shalt  }
0x57: {  	_ =	shalt  }
0x58: {  	_ =	shalt  }
0x59: {  	_ =	shalt  }
0x5a: {  	_ =	shalt  }
0x5b: {  	_ =	shalt  }
0x5c: {  	_ =	shalt  }
0x5d: {  	_ =	shalt  }
0x5e: {  	_ =	shalt  }
0x5f: {  	_ =	shalt  }
0x60: {  	_ =	shalt  }
0x61: {  	_ =	shalt  }
0x62: {  	_ =	shalt  }
0x63: {  	_ =	shalt  }
0x64: {  	_ =	shalt  }
0x65: {  	_ =	shalt  }
0x66: {  	_ =	shalt  }
0x67: {  	_ =	shalt  }
0x68: {  	_ =	shalt  }
0x69: {  	_ =	shalt  }
0x6a: {  	_ =	shalt  }
0x6b: {  	_ =	shalt  }
0x6c: {  	_ =	shalt  }
0x6d: {  	_ =	shalt  }
0x6e: {  	_ =	shalt  }
0x6f: {  	_ =	shalt  }
0x70: {  	_ =	shalt  }
0x71: {  	_ =	shalt  }
0x72: {  	_ =	shalt  }
0x73: {  	_ =	shalt  }
0x74: {  	_ =	shalt  }
0x75: {  	_ =	shalt  }
0x76: {  	_ =	shalt  }
0x77: {  	_ =	shalt  }
0x78: {  	_ =	shalt  }
0x79: {  	_ =	shalt  }
0x7a: {  	_ =	shalt  }
0x7b: {  	_ =	shalt  }
0x7c: {  	_ =	shalt  }
0x7d: {  	_ =	shalt  }
0x7e: {  	_ =	shalt  }
0x7f: {  	_ =	shalt  }
0x80: {  	_ =	shalt  }
0x81: {  	_ =	shalt  }
0x82: {  	_ =	shalt  }
0x83: {  	_ =	shalt  }
0x84: {  	_ =	shalt  }
0x85: {  	_ =	shalt  }
0x86: {  	_ =	shalt  }
0x87: {  	_ =	shalt  }
.Lfunc_end0:
.L_simem_size_0:
called_computation_lowered:
.L_overlay_start_0:
0x88: {  	s2 =	sld [smem:$0x3FD9]  }
0x89: {  	s3 =	sld [smem:$0x3FFE];
	_ =	sdelay $0x1  }
0x8a: {  	s1 =	srdreg.scid  }
0x8b: {  	s0 =	sand.u32 $0x1, s1  }
0x8c: {  	s17 =	sshll.u32 s0, $0xA;
	s2 =	sadd.s32 s3, s2  }
0x8d: {  	s2 =	sadd.s32 s2, s17  }
0x8e: {  	[smem:$0x3FC4] =	sst s2  }
0x8f: {  	_ = 	snop  }
0x90: {  	s2 =	sld [smem:$0x3FC9]  }
0x91: {  	s18 =	sld [smem:$0x3FD0];
	(tm) =	ssettm $0x1  }
0x92: {  	s4 =	sld [smem:$0x3FFB];
	_ =	sdelay $0x3  }
0x93: {  	_ =	strace s4  }
0x94: {  	s4 =	sld [smem:$0x3FFC];
	_ =	sdelay $0x3  }
0x95: {  	_ =	strace s4  }
0x96: {  	s4 =	sld [smem:$0x3FFD];
	_ =	sdelay $0x3  }
0x97: {  	_ =	strace s4  }
0x98: {  	_ =	strace $0x8FFFFFFF  }
0x99: {  	s19 =	sld [smem:$0x3FDB];
	_ =	sdelay $0x1  }
0x9a: {  	s5 =	simm.s32 $_scs_section_size  }
0x9b: {  	s6 =	simm.s32 $_size__tile_overlayer_lowered;
	s7 =	simm.s32 $_tile_overlayer_lowered  }
0x9c: {  	s22 =	simm.s32 $0x1BFF;
	s21 =	sshll.u32 s7, $0x1;
	s4 =	sadd.s32 s5, s19  }
0x9d: {  	s8 =	simm.s32 $0x0;
	s20 =	sshll.u32 s6, $0x1;
	s6 =	sadd.s32 s21, s4  }
0x9e: {  	[timem:s8], [sflag:s22] =	dma.local [hbm:s6], s20  }
0x9f: {  	_ =	swait.ge [sflag:s22], s20  }
0xa0: {  	s5 =	ssub.s32 $0x0, s20;
	[sflag:s22] =	ssyncset.done $0x0  }
0xa1: {  	[sflag:s22] =	ssyncadd.s32 s5;
	_ =	sdelay $0x1  }
0xa2: {  	s23 =	simm.s32 $0x1B8B  }
0xa3: {  	_ =	swait.ge [sflag:s23], $0x1  }
0xa4: {  	[sflag:s23] =	ssyncset.done $0x0  }
0xa5: {  	s25 =	simm.s32 $0x1B8E;
	s24 =	sld [smem:$0x3FFE];
	[sflag:s23] =	ssyncadd.s32 $0xFFFFFFFF  }
0xa6: {  	s26 =	simm.s32 $execute0_lowered;
	[smem:$0x3FD2] =	sst s25  }
0xa7: {  	s6 =	sshll.u32 s26, $0x1;
	_ =	strace $0x80000046;
	[dreg:$0x1] =	wrdreg $0xFFFFFFFF  }
0xa8: {  	s28 =	simm.s32 $_size_execute0_lowered;
	s4 =	sadd.s32 s4, s6;
	[dreg:$0x0] =	wrdreg $0x0  }
0xa9: {  	s6 =	sshll.u32 s28, $0x1;
	[dreg:$0x2] =	wrdreg s4  }
0xaa: {  	[dreg:$0x3] =	wrdreg s6  }
0xab: {  	[dreg:$0x4] =	wrdreg $0xC0  }
0xac: {  	_ =	task [dreg:s8], $0x5FFFF  }
0xad: {  	[dreg:$0x1] =	wrdreg $0xFFFFFFFF  }
0xae: {  	[dreg:$0x0] =	wrdreg $0x60  }
0xaf: {  	[dreg:$0x2] =	wrdreg s2  }
0xb0: {  	[dreg:$0x3] =	wrdreg s24  }
0xb1: {  	[dreg:$0x4] =	wrdreg s18  }
0xb2: {  	[dreg:$0x5] =	wrdreg $0x80800  }
0xb3: {  	[dreg:$0x6] =	wrdreg $0xA0800  }
0xb4: {  	[dreg:$0x7] =	wrdreg $0x9  }
0xb5: {  	_ =	task.clear_ibuf [dreg:s8], $0x8FFFF;
	_ =	strace $0x90000046  }
0xb6: {  	s29 =	simm.s32 $0x9;
	_ =	strace $0x80000048  }
0xb7: {  	_ =	swait.ge [sflag:s29], $0x1  }
0xb8: {  	[sflag:s29] =	ssyncadd.s32 $0xFFFFFFFF  }
0xb9: {  	_ =	strace $0x90000048  }
0xba: {  	_ =	sfence  }
0xbb: {  	s30 =	sld [smem:$0x0];
	_ =	sdelay $0x2  }
0xbc: {  	s31 =	sshll.u32 s1, $0xD;
	s1 =	sshrl.u32 s1, $0x2  }
0xbd: {  	s3 =	sand.u32 $0x4000, s31;
	s1 =	sadd.s32 s1, s30  }
0xbe: {  	s0 =	sor.u32 s3, s0;
	s1 =	sshll.u32 s1, $0x11  }
0xbf: {  	s0 =	sor.u32 s1, s0  }
0xc0: {  	s0 =	sadd.s32 $0x8F2B, s0  }
0xc1: {  	[sflag:s0] =	ssyncadd.remote.s32 $0x1  }
0xc2: {  	_ =	sfence.sel $0xFFFF  }
0xc3: {  	[dreg:$0x0] =	wrdreg $0xFFFFFFFF;
	(pc) =	sbr.abs _section_cstart, $3  }
0xc4: {  	[dreg:$0x1] =	wrdreg $0xFFFFFFFF  }
0xc5: {  	_ =	task.clear_ibuf [dreg:s8], $0x2FFFF;
	_ =	strace $0x9FFFFFFF  }
0xc6: {  	(tm) =	ssettm $0x7FFFFFFF  }
0xc7: {  	_ =	shalt  }
tec
execute0_lowered:
.L_overlay_start_1:
0x0: {  	(tag) =	ssettag $0x1  }
0x1: {  	s6 =	rddreg [dreg:$0x0]  }
0x2: {  	s5 =	rddreg [dreg:$0x1]  }
0x3: {  	s9 =	rddreg [dreg:$0x2]  }
0x4: {  	s2 =	rddreg [dreg:$0x3];
	s1 =	srdreg.scid  }
0x5: {  	s0 =	stileid.u32;
	s3 =	rddreg [dreg:$0x4];
	s4 =	simm.s32 $0x0  }
0x6: {  	s16 =	simm.s32 $0x1;
	s17 =	simm.s32 $0x2;
	s18 =	simm.s32 $0x80  }
0x7: {  	s19 =	simm.s32 $0x4080;
	s7 =	sand.u32 $0x1, s1;
	s1 =	rddreg [dreg:$0x5]  }
0x8: {  	s20 =	simm.s32 $0x0;
	s8 =	sshll.u32 s0, $0x1;
	[smem:$0x7FF] =	sst s4  }
0x9: {  	s13 =	sshll.u32 s0, $0xD;
	s30 =	sshll.u32 s0, $0x6;
	s8 =	sor.u32 s7, s8  }
0xa: {  	_ =	strace $0x80000047;
	s11 =	ssub.s32 $0x2, s7;
	s7 =	sshll.u32 s7, $0x12  }
0xb: {  	s14 =	sadd.s32 s13, s2;
	s15 =	sadd.s32 s13, s3;
	s10 =	sshll.u32 s8, $0x4  }
0xc: {  	s12 =	sshrl.u32 s11, $0x1;
	s8 =	sshll.u32 s8, $0xB;
	s29 =	sor.u32 s13, s7  }
0xd: {  	s13 =	sshrl.u32 s14, $0x3;
	s14 =	simm.s32 $0x3;
	s15 =	sshrl.u32 s15, $0x3  }
0xe: {  	s10 =	sadd.s32 s10, s5;
	s5 =	sadd.s32 $0x1200, s5;
	s6 =	sadd.s32 s8, s6  }
0xf: {  	s11 =	ssub.s32 s11, s12;
	s31 =	sshrl.u32 s29, $0x3;
	s8 =	sor.u32 $0x1C03, s30  }
0x10: {  	s12 =	simm.s32 $0x4000;
	s6 =	sadd.s32 $0x10000, s6;
	s9 =	sadd.s32 s9, s31  }
0x11: {  	v0 =	vimm.f32 $1.000000000e+00;
	s7 =	sadd.s32 $0x1000, s10;
	s11 =	smax.u32 s11, $0x1;
	s10 =	sadd.s32 $0x4000, s9  }
.LBB2_1:
0x12: {  	[tilespmem:s4], [sflag:$0x1] =	stream.linear.gather [hbm4b:s6+s4], $0x4000, $0x38;
	[tilespmem:$0xC080] =	vst v63  }
0x13: {  	s21 =	simm.s32 $0x0;
	s22 =	simm.s32 $0x200  }
0x14: {  	[tilespmem:s12], [sflag:$0x2] =	stream.linear.gather [hbm4b:s7+s4], $0x80, $0x38;
	[tilespmem:$0xC080] =	vst v63  }
.LBB2_2:
0x15: {  	p0 =	sne.s32 s22, $0xFE00;
	[tilespmem:s21+$0x40F0] =	vst v0  }
0x16: {  	[tilespmem:s21+$0x4080] =	vst v0  }
0x17: {  	[tilespmem:s21+$0x4090] =	vst v0  }
.Ltmp0:
0x18: {  	[tilespmem:s21+$0x40A0] =	vst v0;
	(pc) =	sbr.rel @p0 .LBB2_2-.Ltmp0, $4  }
0x19: {  	[tilespmem:s21+$0x40B0] =	vst v0  }
0x1a: {  	[tilespmem:s21+$0x40C0] =	vst v0  }
0x1b: {  	[tilespmem:s21+$0x40D0] =	vst v0  }
0x1c: {  	[tilespmem:s21+$0x40E0] =	vst v0;
	s21 =	sshra.s32 s22, $0x2;
	s22 =	sadd.s32 $0x200, s22  }
0x1d: {  	[tilespmem:s21+$0x40F0] =	vst v0  }
0x1e: {  	[tilespmem:s21+$0x4080] =	vst v0  }
0x1f: {  	[tilespmem:s21+$0x4090] =	vst v0  }
0x20: {  	[tilespmem:s21+$0x40A0] =	vst v0  }
0x21: {  	[tilespmem:s21+$0x40B0] =	vst v0  }
0x22: {  	[tilespmem:s21+$0x40C0] =	vst v0  }
0x23: {  	[tilespmem:s21+$0x40D0] =	vst v0  }
0x24: {  	[tilespmem:s21+$0x40E0] =	vst v0  }
0x25: {  	[spmem:s13], [sflag:s8] =	dma.local [hbm:s5], $0x400  }
0x26: {  	_ =	swait.ge [sflag:s14], $0x400  }
0x27: {  	[sflag:s14] =	ssyncset.done $0x0  }
0x28: {  	[sflag:s14] =	ssyncadd.s32 $0xFFFFFC00  }
0x29: {  	[spmem:s15], [sflag:s8] =	dma.local [hbm:s5], $0x400  }
0x2a: {  	_ =	swait.ge [sflag:s14], $0x400  }
0x2b: {  	[sflag:s14] =	ssyncset.done $0x0  }
0x2c: {  	[sflag:s14] =	ssyncadd.s32 $0xFFFFFC00  }
0x2d: {  	_ =	swait.ge [sflag:s16], $0x4000  }
0x2e: {  	[sflag:s16] =	ssyncset.done $0x0  }
0x2f: {  	[sflag:s16] =	ssyncadd.s32 $0xFFFFC000  }
0x30: {  	_ =	swait.ge [sflag:s17], $0x80  }
0x31: {  	[sflag:s17] =	ssyncset.done $0x0  }
0x32: {  	[sflag:s17] =	ssyncadd.s32 $0xFFFFFF80  }
0x33: {  	[bflag:$0x0] =	sbarrier.arrive $0xFFFF  }
0x34: {  	[spmem:s2] =	stream.indirect.scatter.add.f32 [tilespmem:s4], [sflag:$0x3], $0x80, s12, s18, $0xb8;
	[tilespmem:$0xC080] =	vst v63  }
0x35: {  	_ =	swait.ge [sflag:s14], $0x4000  }
0x36: {  	[sflag:s14] =	ssyncset.done $0x0  }
0x37: {  	[sflag:s14] =	ssyncadd.s32 $0xFFFFC000  }
0x38: {  	[spmem:s3] =	stream.indirect.scatter.add.f32 [tilespmem:s19], [sflag:$0x3], $0x80, s12, s18, $0xb8;
	[tilespmem:$0xC080] =	vst v63  }
0x39: {  	_ =	swait.ge [sflag:s14], $0x4000  }
0x3a: {  	[sflag:s14] =	ssyncset.done $0x0  }
0x3b: {  	[sflag:s14] =	ssyncadd.s32 $0xFFFFC000  }
0x3c: {  	[bflag:$0x0] =	sbarrier.arrive $0xFFFF  }
0x3d: {  	[hbm:s9], [sflag:s8] =	dma.local [spmem:s13], $0x400  }
0x3e: {  	s20 =	sadd.s32 $0x1, s20;
	_ =	swait.ge [sflag:s14], $0x400  }
0x3f: {  	p0 =	sne.s32 s20, s11;
	[sflag:s14] =	ssyncset.done $0x0  }
.Ltmp1:
0x40: {  	[sflag:s14] =	ssyncadd.s32 $0xFFFFFC00;
	(pc) =	sbr.rel @p0 .LBB2_1-.Ltmp1, $4  }
0x41: {  	[hbm:s10], [sflag:s8] =	dma.local [spmem:s15], $0x400  }
0x42: {  	_ =	swait.ge [sflag:s14], $0x400  }
0x43: {  	[sflag:s14] =	ssyncset.done $0x0  }
0x44: {  	[sflag:s14] =	ssyncadd.s32 $0xFFFFFC00  }
0x45: {  	_ =	sfence.sel $0x180000  }
0x46: {  	[bflag:$0x0] =	sbarrier.arrive $0xFFFF  }
0x47: {  	p0 =	sne.s32 s0, $0x0;
	_ =	strace $0x90000047  }
0x48: {  	s0 =	sadd.s32 @!p0 $0x100000, s1;
	[bflag:$0x2] =	sbarrier.arrive $0xFFFF  }
0x49: {  	[sflag:s0] =	ssyncadd.tile.s32 @!p0 $0x1;
	_ =	shalt  }
.Lfunc_end2:
_tile_overlayer_lowered:
.L_overlay_start_2:
0x4a: {  	(tag) =	ssettag $0x2  }
0x4b: {  	s0 =	rddreg [dreg:$0x0];
	s2 =	stileid.u32  }
0x4c: {  	s1 =	rddreg [dreg:$0x1];
	p0 =	sne.s32 s2, $0x0  }
0x4d: {  	s3 =	rddreg [dreg:$0x2];
	[bflag:$0x3] =	sbarrier.arrive $0xFFFF;
	s2 =	simm.s32 @!p0 $0x1C03  }
0x4e: {  	[timem:s3], [sflag:s2] =	dma.local @!p0 [hbm:s0], s1  }
0x4f: {  	s0 =	simm.s32 @!p0 $0x3  }
0x50: {  	_ =	swait.ge @!p0 [sflag:s0], s1  }
0x51: {  	s1 =	ssub.s32 @!p0 $0x0, s1;
	[sflag:s0] =	ssyncset.done @!p0 $0x0  }
0x52: {  	[sflag:s0] =	ssyncadd.s32 @!p0 s1  }
0x53: {  	[bflag:$0x3] =	sbarrier.arrive $0xFFFF  }
0x54: {  	_ =	shalt  }

</sc_bundles>
